<compile_context>
chip_gen: v7x
topology: tpu7x:2x2x1
jax: 0.10.2.dev20260603
libtpu: 0.0.44.dev20260713+nightly
codegen_flags: <defaults>
</compile_context>

<pallas_src>
import functools

import jax
import jax.numpy as jnp
from jax import lax
from jax.experimental import pallas as pl
from jax.experimental.pallas import tpu as pltpu
from jax.experimental.pallas import tpu_sc as plsc

VOCAB = 400000
EMB_DIM = 300
D_PAD = 16
ROW_BLK = 8000
SUB = ROW_BLK // 8
NC, NS = 2, 16
NW = NC * NS
B_TOT = 4096 * 50
B_PER_W = B_TOT // NW


def _project_body(t_ref, w_ref, b_ref, o_ref):
    y = (
        jnp.dot(t_ref[...], w_ref[...], preferred_element_type=jnp.float32)
        + b_ref[...]
    )
    parts = [y[m * SUB:(m + 1) * SUB, :] for m in range(8)]
    o_ref[...] = jnp.concatenate(parts, axis=1)


def _project(table, w_pad, b_pad):
    return pl.pallas_call(
        _project_body,
        grid=(VOCAB // ROW_BLK,),
        in_specs=[
            pl.BlockSpec((ROW_BLK, EMB_DIM), lambda i: (i, 0)),
            pl.BlockSpec((EMB_DIM, D_PAD), lambda i: (0, 0)),
            pl.BlockSpec((1, D_PAD), lambda i: (0, 0)),
        ],
        out_specs=pl.BlockSpec((SUB, 8 * D_PAD), lambda i: (i, 0)),
        out_shape=jax.ShapeDtypeStruct((VOCAB // 8, 8 * D_PAD), jnp.float32),
    )(table, w_pad, b_pad)


def _gather_body(adj_hbm, p_hbm, out_hbm, idx_v, rows_v, sem, sem2):
    wid = lax.axis_index("s") * NC + lax.axis_index("c")
    pltpu.sync_copy(adj_hbm.at[wid], idx_v)

    def remap(g, carry):
        v = idx_v[pl.ds(g * 16, 16)]
        vf = v.astype(jnp.float32) + 0.5
        i = (vf * (1.0 / ROW_BLK)).astype(jnp.int32)
        rem = v - i * ROW_BLK
        rf = rem.astype(jnp.float32) + 0.5
        m = (rf * (1.0 / SUB)).astype(jnp.int32)
        r = rem - m * SUB
        idx_v[pl.ds(g * 16, 16)] = 8 * (i * SUB + r) + m
        return carry

    lax.fori_loop(0, B_PER_W // 16, remap, 0)

    half = B_PER_W // 2
    cp0 = pltpu.async_copy(
        p_hbm.at[idx_v.at[pl.ds(0, half)]], rows_v.at[pl.ds(0, half)], sem
    )
    cp1 = pltpu.async_copy(
        p_hbm.at[idx_v.at[pl.ds(half, half)]], rows_v.at[pl.ds(half, half)], sem2
    )
    cp0.wait()
    pltpu.sync_copy(rows_v.at[pl.ds(0, half)], out_hbm.at[wid, pl.ds(0, half)])
    cp1.wait()
    pltpu.sync_copy(
        rows_v.at[pl.ds(half, half)], out_hbm.at[wid, pl.ds(half, half)]
    )


_gather = functools.partial(
    pl.kernel,
    mesh=plsc.VectorSubcoreMesh(
        core_axis_name="c", subcore_axis_name="s", num_cores=NC, num_subcores=NS
    ),
    out_type=jax.ShapeDtypeStruct((NW, B_PER_W, D_PAD), jnp.float32),
    scratch_types=[
        pltpu.VMEM((B_PER_W,), jnp.int32),
        pltpu.VMEM((B_PER_W, D_PAD), jnp.float32),
        pltpu.SemaphoreType.DMA,
        pltpu.SemaphoreType.DMA,
    ],
    compiler_params=pltpu.CompilerParams(use_tc_tiling_on_sc=False),
)(_gather_body)


def kernel(adj, table, W, b):
    w_pad = jnp.pad(W, ((0, 0), (0, D_PAD - W.shape[1])))
    b_pad = jnp.pad(b, (0, D_PAD - b.shape[0])).reshape(1, D_PAD)
    proj8 = _project(table, w_pad, b_pad)
    proj = proj8.reshape(VOCAB, D_PAD)
    adj_w = adj.reshape(NW, B_PER_W).astype(jnp.int32)
    out = _gather(adj_w, proj)
    return out.reshape(4096, 50, D_PAD)[..., : b.shape[0]]

# --- scband reference (transcript-rebuilt; emitter-appended) ---
"""Pipeline reference for scband-adj-emb-67370857005122 (READ-ONLY COPY).

The authoritative reference and input builder live on the scoring server;
editing this copy changes nothing except your own understanding.
"""

import jax, jax.numpy as jnp
import numpy as np

VOCAB = 400000
EMB_DIM = 300
DENSE_SIZE = 10

def setup_inputs(seed: int = 0) -> dict:
    key = jax.random.key(seed)
    k1, k2, k3, k4 = jax.random.split(key, 4)
    adj = jax.random.randint(k1, (4096, 50), 0, VOCAB, dtype=jnp.int64 if jax.config.read('jax_enable_x64') else jnp.int32)
    table = jax.random.normal(k2, (VOCAB, EMB_DIM), dtype=jnp.float32) * 0.02
    W = jax.random.normal(k3, (EMB_DIM, DENSE_SIZE), dtype=jnp.float32) * (1.0 / np.sqrt(EMB_DIM))
    b = jax.random.normal(k4, (DENSE_SIZE,), dtype=jnp.float32) * 0.01
    return {"adj": adj, "table": table, "W": W, "b": b}

def reference(adj, table, W, b):
    # emb_adj = self.embeddings(adj)  -> gather rows from embedding table
    emb = jnp.take(table, adj, axis=0)            # [B, L, EMB_DIM]
    # squished_layer = self.squish(emb)  -> linear projection to dense_size
    out = jnp.dot(emb, W) + b                     # [B, L, DENSE_SIZE]
    return out

if __name__ == "__main__":
    import jax
    _d = setup_inputs()
    print(jax.jit(kernel)(*tuple(_d.values())))

</pallas_src>

<mosaic_0001>
#map = affine_map<(d0, d1) -> (0, 0)>
#map1 = affine_map<(d0, d1) -> (0, 0, 0)>
module attributes {stable_mosaic.version = 14 : i64} {
  func.func @_gather_body(%arg0: i32, %arg1: i32, %arg2: memref<32x6400xi32, #tpu.memory_space<hbm>>, %arg3: memref<400000x16xf32, #tpu.memory_space<hbm>>, %arg4: memref<32x6400x16xf32, #tpu.memory_space<hbm>>, %arg5: memref<6400xi32, #tpu.memory_space<vmem>>, %arg6: memref<6400x16xf32, #tpu.memory_space<vmem>>, %arg7: memref<!tpu.dma_semaphore, #tpu.memory_space<semaphore_mem>>, %arg8: memref<!tpu.dma_semaphore, #tpu.memory_space<semaphore_mem>>) attributes {dimension_semantics = [#tpu.dimension_semantics<core_parallel>, #tpu.dimension_semantics<subcore_parallel>], iteration_bounds = array<i64: 2, 16>, scalar_prefetch = 0 : i64, scratch_operands = 4 : i64, tpu.core_type = #tpu.core_type<sc_vector_subcore>, window_params = [{transform_indices = #map}, {transform_indices = #map}, {transform_indices = #map1}]} {
    %mul3A = arith.constant 2 : i32
    %mul3A_0 = arith.muli %arg1, %mul3A : i32
    %add3A = arith.addi %mul3A_0, %arg0 : i32
    "tpu.region"() ({
      %run_scoped3A = tpu.sem_alloc : memref<!tpu.dma_semaphore, #tpu.memory_space<semaphore_mem>>
      %dma_start3A_36 = arith.constant 0 : i32
      %dma_start3A_37 = tpu.memref_slice %arg2[%add3A, %dma_start3A_36] : memref<32x6400xi32, #tpu.memory_space<hbm>> -> memref<1x6400xi32, #tpu.memory_space<hbm>>
      %dma_start3A_38 = tpu.memref_squeeze %dma_start3A_37 : memref<1x6400xi32, #tpu.memory_space<hbm>> -> memref<6400xi32, #tpu.memory_space<hbm>>
      %dma_start3A_39 = arith.constant 0 : i32
      %dma_start3A_40 = tpu.memref_slice %arg2[%add3A, %dma_start3A_39] : memref<32x6400xi32, #tpu.memory_space<hbm>> -> memref<1x6400xi32, #tpu.memory_space<hbm>>
      %dma_start3A_41 = tpu.memref_squeeze %dma_start3A_40 : memref<1x6400xi32, #tpu.memory_space<hbm>> -> memref<6400xi32, #tpu.memory_space<hbm>>
      tpu.enqueue_dma source(%dma_start3A_41 : memref<6400xi32, #tpu.memory_space<hbm>>) target(%arg5 : memref<6400xi32, #tpu.memory_space<vmem>>) target_semaphore(%run_scoped3A : memref<!tpu.dma_semaphore, #tpu.memory_space<semaphore_mem>>)
      %dma_wait3A_42 = arith.constant 0 : i32
      %dma_wait3A_43 = tpu.memref_slice %arg2[%add3A, %dma_wait3A_42] : memref<32x6400xi32, #tpu.memory_space<hbm>> -> memref<1x6400xi32, #tpu.memory_space<hbm>>
      %dma_wait3A_44 = tpu.memref_squeeze %dma_wait3A_43 : memref<1x6400xi32, #tpu.memory_space<hbm>> -> memref<6400xi32, #tpu.memory_space<hbm>>
      %dma_wait3A_45 = arith.constant 0 : i32
      %dma_wait3A_46 = tpu.memref_slice %arg2[%add3A, %dma_wait3A_45] : memref<32x6400xi32, #tpu.memory_space<hbm>> -> memref<1x6400xi32, #tpu.memory_space<hbm>>
      %dma_wait3A_47 = tpu.memref_squeeze %dma_wait3A_46 : memref<1x6400xi32, #tpu.memory_space<hbm>> -> memref<6400xi32, #tpu.memory_space<hbm>>
      tpu.wait_dma2 semaphore(%run_scoped3A : memref<!tpu.dma_semaphore, #tpu.memory_space<semaphore_mem>>) src(%dma_wait3A_47 : memref<6400xi32, #tpu.memory_space<hbm>>) dst(%arg5 : memref<6400xi32, #tpu.memory_space<vmem>>)
      tpu.yield
    }) : () -> ()
    %scan3A = arith.constant 0 : i32
    %scan3A_1 = arith.constant 0 : i32
    %scan3A_2 = arith.constant 400 : i32
    %scan3A_3 = arith.addi %scan3A_1, %scan3A_2 : i32
    %scan3A_4 = arith.constant 1 : i32
    scf.for %scan3A_36 = %scan3A_1 to %scan3A_3 step %scan3A_4  : i32 {
      %mul3A_37 = arith.constant 16 : i32
      %mul3A_38 = arith.muli %scan3A_36, %mul3A_37 : i32
      %get3A = arith.index_cast %mul3A_38 : i32 to index
      %get3A_39 = tpu.vector_load %arg5[%get3A] {strides = array<i32>} : memref<6400xi32, #tpu.memory_space<vmem>>, vector<16xi32>,
      %get3A_40 = vector.shape_cast %get3A_39 : vector<16xi32> to vector<16xi32>
      %convert_element_type3A = arith.sitofp %get3A_40 : vector<16xi32> to vector<16xf32>
      %add3A_41 = arith.constant 5.000000e-01 : f32
      %add3A_42 = vector.broadcast %add3A_41 : f32 to vector<16xf32>
      %add3A_43 = arith.addf %convert_element_type3A, %add3A_42 : vector<16xf32>
      %mul3A_44 = arith.constant 1.250000e-04 : f32
      %mul3A_45 = vector.broadcast %mul3A_44 : f32 to vector<16xf32>
      %mul3A_46 = arith.mulf %add3A_43, %mul3A_45 : vector<16xf32>
      %convert_element_type3A_47 = arith.fptosi %mul3A_46 : vector<16xf32> to vector<16xi32>
      %mul3A_48 = arith.constant 8000 : i32
      %mul3A_49 = vector.broadcast %mul3A_48 : i32 to vector<16xi32>
      %mul3A_50 = arith.muli %convert_element_type3A_47, %mul3A_49 : vector<16xi32>
      %sub3A = arith.subi %get3A_40, %mul3A_50 : vector<16xi32>
      %convert_element_type3A_51 = arith.sitofp %sub3A : vector<16xi32> to vector<16xf32>
      %add3A_52 = arith.constant 5.000000e-01 : f32
      %add3A_53 = vector.broadcast %add3A_52 : f32 to vector<16xf32>
      %add3A_54 = arith.addf %convert_element_type3A_51, %add3A_53 : vector<16xf32>
      %mul3A_55 = arith.constant 1.000000e-03 : f32
      %mul3A_56 = vector.broadcast %mul3A_55 : f32 to vector<16xf32>
      %mul3A_57 = arith.mulf %add3A_54, %mul3A_56 : vector<16xf32>
      %convert_element_type3A_58 = arith.fptosi %mul3A_57 : vector<16xf32> to vector<16xi32>
      %mul3A_59 = arith.constant 1000 : i32
      %mul3A_60 = vector.broadcast %mul3A_59 : i32 to vector<16xi32>
      %mul3A_61 = arith.muli %convert_element_type3A_58, %mul3A_60 : vector<16xi32>
      %sub3A_62 = arith.subi %sub3A, %mul3A_61 : vector<16xi32>
      %mul3A_63 = arith.constant 1000 : i32
      %mul3A_64 = vector.broadcast %mul3A_63 : i32 to vector<16xi32>
      %mul3A_65 = arith.muli %convert_element_type3A_47, %mul3A_64 : vector<16xi32>
      %add3A_66 = arith.addi %mul3A_65, %sub3A_62 : vector<16xi32>
      %mul3A_67 = arith.constant 8 : i32
      %mul3A_68 = vector.broadcast %mul3A_67 : i32 to vector<16xi32>
      %mul3A_69 = arith.muli %mul3A_68, %add3A_66 : vector<16xi32>
      %add3A_70 = arith.addi %mul3A_69, %convert_element_type3A_58 : vector<16xi32>
      %mul3A_71 = arith.constant 16 : i32
      %mul3A_72 = arith.muli %scan3A_36, %mul3A_71 : i32
      %swap3A = arith.index_cast %mul3A_72 : i32 to index
      %swap3A_73 = tpu.vector_load %arg5[%swap3A] {strides = array<i32>} : memref<6400xi32, #tpu.memory_space<vmem>>, vector<16xi32>,
      %swap3A_74 = vector.shape_cast %swap3A_73 : vector<16xi32> to vector<16xi32>
      %swap3A_75 = vector.shape_cast %add3A_70 : vector<16xi32> to vector<16xi32>
      tpu.vector_store %arg5[%swap3A], %swap3A_75 {strides = array<i32>} : memref<6400xi32, #tpu.memory_space<vmem>>, vector<16xi32>,
    }
    %scan3A_5 = arith.constant 400 : i32
    %dma_start3A = arith.constant 0 : i32
    %dma_start3A_6 = arith.constant 0 : i32
    %dma_start3A_7 = tpu.memref_slice %arg6[%dma_start3A, %dma_start3A_6] : memref<6400x16xf32, #tpu.memory_space<vmem>> -> memref<3200x16xf32, #tpu.memory_space<vmem>>
    %dma_start3A_8 = arith.constant 0 : i32
    %dma_start3A_9 = tpu.memref_slice %arg5[%dma_start3A_8] : memref<6400xi32, #tpu.memory_space<vmem>> -> memref<3200xi32, #tpu.memory_space<vmem>>
    %dma_start3A_10 = arith.constant 0 : i32
    %dma_start3A_11 = arith.constant 0 : i32
    %dma_start3A_12 = tpu.memref_slice %arg3[%dma_start3A_10, %dma_start3A_11] : memref<400000x16xf32, #tpu.memory_space<hbm>> -> memref<400000x16xf32, #tpu.memory_space<hbm>>
    tpu.enqueue_indirect_dma source(%dma_start3A_12 : memref<400000x16xf32, #tpu.memory_space<hbm>>) target(%dma_start3A_7 : memref<3200x16xf32, #tpu.memory_space<vmem>>) offsets(%dma_start3A_9 : memref<3200xi32, #tpu.memory_space<vmem>>) semaphore(%arg7 : memref<!tpu.dma_semaphore, #tpu.memory_space<semaphore_mem>>)
    %dma_start3A_13 = arith.constant 3200 : i32
    %dma_start3A_14 = arith.constant 0 : i32
    %dma_start3A_15 = tpu.memref_slice %arg6[%dma_start3A_13, %dma_start3A_14] : memref<6400x16xf32, #tpu.memory_space<vmem>> -> memref<3200x16xf32, #tpu.memory_space<vmem>>
    %dma_start3A_16 = arith.constant 3200 : i32
    %dma_start3A_17 = tpu.memref_slice %arg5[%dma_start3A_16] : memref<6400xi32, #tpu.memory_space<vmem>> -> memref<3200xi32, #tpu.memory_space<vmem>>
    %dma_start3A_18 = arith.constant 0 : i32
    %dma_start3A_19 = arith.constant 0 : i32
    %dma_start3A_20 = tpu.memref_slice %arg3[%dma_start3A_18, %dma_start3A_19] : memref<400000x16xf32, #tpu.memory_space<hbm>> -> memref<400000x16xf32, #tpu.memory_space<hbm>>
    tpu.enqueue_indirect_dma source(%dma_start3A_20 : memref<400000x16xf32, #tpu.memory_space<hbm>>) target(%dma_start3A_15 : memref<3200x16xf32, #tpu.memory_space<vmem>>) offsets(%dma_start3A_17 : memref<3200xi32, #tpu.memory_space<vmem>>) semaphore(%arg8 : memref<!tpu.dma_semaphore, #tpu.memory_space<semaphore_mem>>)
    %dma_wait3A = arith.constant 0 : i32
    %dma_wait3A_21 = arith.constant 0 : i32
    %dma_wait3A_22 = tpu.memref_slice %arg6[%dma_wait3A, %dma_wait3A_21] : memref<6400x16xf32, #tpu.memory_space<vmem>> -> memref<3200x16xf32, #tpu.memory_space<vmem>>
    %dma_wait3A_23 = arith.constant 0 : i32
    %dma_wait3A_24 = tpu.memref_slice %arg5[%dma_wait3A_23] : memref<6400xi32, #tpu.memory_space<vmem>> -> memref<3200xi32, #tpu.memory_space<vmem>>
    %dma_wait3A_25 = arith.constant 0 : i32
    %dma_wait3A_26 = arith.constant 0 : i32
    %dma_wait3A_27 = tpu.memref_slice %arg3[%dma_wait3A_25, %dma_wait3A_26] : memref<400000x16xf32, #tpu.memory_space<hbm>> -> memref<400000x16xf32, #tpu.memory_space<hbm>>
    tpu.wait_indirect_dma semaphore(%arg7 : memref<!tpu.dma_semaphore, #tpu.memory_space<semaphore_mem>>) src(%dma_wait3A_27 : memref<400000x16xf32, #tpu.memory_space<hbm>>) dst(%dma_wait3A_22 : memref<3200x16xf32, #tpu.memory_space<vmem>>)
    "tpu.region"() ({
      %run_scoped3A = tpu.sem_alloc : memref<!tpu.dma_semaphore, #tpu.memory_space<semaphore_mem>>
      %dma_start3A_36 = arith.constant 0 : i32
      %dma_start3A_37 = arith.constant 0 : i32
      %dma_start3A_38 = tpu.memref_slice %arg6[%dma_start3A_36, %dma_start3A_37] : memref<6400x16xf32, #tpu.memory_space<vmem>> -> memref<3200x16xf32, #tpu.memory_space<vmem>>
      %dma_start3A_39 = arith.constant 0 : i32
      %dma_start3A_40 = arith.constant 0 : i32
      %dma_start3A_41 = tpu.memref_slice %arg4[%add3A, %dma_start3A_39, %dma_start3A_40] : memref<32x6400x16xf32, #tpu.memory_space<hbm>> -> memref<1x3200x16xf32, #tpu.memory_space<hbm>>
      %dma_start3A_42 = tpu.memref_squeeze %dma_start3A_41 : memref<1x3200x16xf32, #tpu.memory_space<hbm>> -> memref<3200x16xf32, #tpu.memory_space<hbm>>
      %dma_start3A_43 = arith.constant 0 : i32
      %dma_start3A_44 = arith.constant 0 : i32
      %dma_start3A_45 = tpu.memref_slice %arg4[%add3A, %dma_start3A_43, %dma_start3A_44] : memref<32x6400x16xf32, #tpu.memory_space<hbm>> -> memref<1x3200x16xf32, #tpu.memory_space<hbm>>
      %dma_start3A_46 = tpu.memref_squeeze %dma_start3A_45 : memref<1x3200x16xf32, #tpu.memory_space<hbm>> -> memref<3200x16xf32, #tpu.memory_space<hbm>>
      %dma_start3A_47 = arith.constant 0 : i32
      %dma_start3A_48 = arith.constant 0 : i32
      %dma_start3A_49 = tpu.memref_slice %arg6[%dma_start3A_47, %dma_start3A_48] : memref<6400x16xf32, #tpu.memory_space<vmem>> -> memref<3200x16xf32, #tpu.memory_space<vmem>>
      tpu.enqueue_dma source(%dma_start3A_49 : memref<3200x16xf32, #tpu.memory_space<vmem>>) target(%dma_start3A_46 : memref<3200x16xf32, #tpu.memory_space<hbm>>) target_semaphore(%run_scoped3A : memref<!tpu.dma_semaphore, #tpu.memory_space<semaphore_mem>>)
      %dma_wait3A_50 = arith.constant 0 : i32
      %dma_wait3A_51 = arith.constant 0 : i32
      %dma_wait3A_52 = tpu.memref_slice %arg6[%dma_wait3A_50, %dma_wait3A_51] : memref<6400x16xf32, #tpu.memory_space<vmem>> -> memref<3200x16xf32, #tpu.memory_space<vmem>>
      %dma_wait3A_53 = arith.constant 0 : i32
      %dma_wait3A_54 = arith.constant 0 : i32
      %dma_wait3A_55 = tpu.memref_slice %arg4[%add3A, %dma_wait3A_53, %dma_wait3A_54] : memref<32x6400x16xf32, #tpu.memory_space<hbm>> -> memref<1x3200x16xf32, #tpu.memory_space<hbm>>
      %dma_wait3A_56 = tpu.memref_squeeze %dma_wait3A_55 : memref<1x3200x16xf32, #tpu.memory_space<hbm>> -> memref<3200x16xf32, #tpu.memory_space<hbm>>
      %dma_wait3A_57 = arith.constant 0 : i32
      %dma_wait3A_58 = arith.constant 0 : i32
      %dma_wait3A_59 = tpu.memref_slice %arg4[%add3A, %dma_wait3A_57, %dma_wait3A_58] : memref<32x6400x16xf32, #tpu.memory_space<hbm>> -> memref<1x3200x16xf32, #tpu.memory_space<hbm>>
      %dma_wait3A_60 = tpu.memref_squeeze %dma_wait3A_59 : memref<1x3200x16xf32, #tpu.memory_space<hbm>> -> memref<3200x16xf32, #tpu.memory_space<hbm>>
      %dma_wait3A_61 = arith.constant 0 : i32
      %dma_wait3A_62 = arith.constant 0 : i32
      %dma_wait3A_63 = tpu.memref_slice %arg6[%dma_wait3A_61, %dma_wait3A_62] : memref<6400x16xf32, #tpu.memory_space<vmem>> -> memref<3200x16xf32, #tpu.memory_space<vmem>>
      tpu.wait_dma2 semaphore(%run_scoped3A : memref<!tpu.dma_semaphore, #tpu.memory_space<semaphore_mem>>) src(%dma_wait3A_63 : memref<3200x16xf32, #tpu.memory_space<vmem>>) dst(%dma_wait3A_60 : memref<3200x16xf32, #tpu.memory_space<hbm>>)
      tpu.yield
    }) : () -> ()
    %dma_wait3A_28 = arith.constant 3200 : i32
    %dma_wait3A_29 = arith.constant 0 : i32
    %dma_wait3A_30 = tpu.memref_slice %arg6[%dma_wait3A_28, %dma_wait3A_29] : memref<6400x16xf32, #tpu.memory_space<vmem>> -> memref<3200x16xf32, #tpu.memory_space<vmem>>
    %dma_wait3A_31 = arith.constant 3200 : i32
    %dma_wait3A_32 = tpu.memref_slice %arg5[%dma_wait3A_31] : memref<6400xi32, #tpu.memory_space<vmem>> -> memref<3200xi32, #tpu.memory_space<vmem>>
    %dma_wait3A_33 = arith.constant 0 : i32
    %dma_wait3A_34 = arith.constant 0 : i32
    %dma_wait3A_35 = tpu.memref_slice %arg3[%dma_wait3A_33, %dma_wait3A_34] : memref<400000x16xf32, #tpu.memory_space<hbm>> -> memref<400000x16xf32, #tpu.memory_space<hbm>>
    tpu.wait_indirect_dma semaphore(%arg8 : memref<!tpu.dma_semaphore, #tpu.memory_space<semaphore_mem>>) src(%dma_wait3A_35 : memref<400000x16xf32, #tpu.memory_space<hbm>>) dst(%dma_wait3A_30 : memref<3200x16xf32, #tpu.memory_space<vmem>>)
    "tpu.region"() ({
      %run_scoped3A = tpu.sem_alloc : memref<!tpu.dma_semaphore, #tpu.memory_space<semaphore_mem>>
      %dma_start3A_36 = arith.constant 3200 : i32
      %dma_start3A_37 = arith.constant 0 : i32
      %dma_start3A_38 = tpu.memref_slice %arg6[%dma_start3A_36, %dma_start3A_37] : memref<6400x16xf32, #tpu.memory_space<vmem>> -> memref<3200x16xf32, #tpu.memory_space<vmem>>
      %dma_start3A_39 = arith.constant 3200 : i32
      %dma_start3A_40 = arith.constant 0 : i32
      %dma_start3A_41 = tpu.memref_slice %arg4[%add3A, %dma_start3A_39, %dma_start3A_40] : memref<32x6400x16xf32, #tpu.memory_space<hbm>> -> memref<1x3200x16xf32, #tpu.memory_space<hbm>>
      %dma_start3A_42 = tpu.memref_squeeze %dma_start3A_41 : memref<1x3200x16xf32, #tpu.memory_space<hbm>> -> memref<3200x16xf32, #tpu.memory_space<hbm>>
      %dma_start3A_43 = arith.constant 3200 : i32
      %dma_start3A_44 = arith.constant 0 : i32
      %dma_start3A_45 = tpu.memref_slice %arg4[%add3A, %dma_start3A_43, %dma_start3A_44] : memref<32x6400x16xf32, #tpu.memory_space<hbm>> -> memref<1x3200x16xf32, #tpu.memory_space<hbm>>
      %dma_start3A_46 = tpu.memref_squeeze %dma_start3A_45 : memref<1x3200x16xf32, #tpu.memory_space<hbm>> -> memref<3200x16xf32, #tpu.memory_space<hbm>>
      %dma_start3A_47 = arith.constant 3200 : i32
      %dma_start3A_48 = arith.constant 0 : i32
      %dma_start3A_49 = tpu.memref_slice %arg6[%dma_start3A_47, %dma_start3A_48] : memref<6400x16xf32, #tpu.memory_space<vmem>> -> memref<3200x16xf32, #tpu.memory_space<vmem>>
      tpu.enqueue_dma source(%dma_start3A_49 : memref<3200x16xf32, #tpu.memory_space<vmem>>) target(%dma_start3A_46 : memref<3200x16xf32, #tpu.memory_space<hbm>>) target_semaphore(%run_scoped3A : memref<!tpu.dma_semaphore, #tpu.memory_space<semaphore_mem>>)
      %dma_wait3A_50 = arith.constant 3200 : i32
      %dma_wait3A_51 = arith.constant 0 : i32
      %dma_wait3A_52 = tpu.memref_slice %arg6[%dma_wait3A_50, %dma_wait3A_51] : memref<6400x16xf32, #tpu.memory_space<vmem>> -> memref<3200x16xf32, #tpu.memory_space<vmem>>
      %dma_wait3A_53 = arith.constant 3200 : i32
      %dma_wait3A_54 = arith.constant 0 : i32
      %dma_wait3A_55 = tpu.memref_slice %arg4[%add3A, %dma_wait3A_53, %dma_wait3A_54] : memref<32x6400x16xf32, #tpu.memory_space<hbm>> -> memref<1x3200x16xf32, #tpu.memory_space<hbm>>
      %dma_wait3A_56 = tpu.memref_squeeze %dma_wait3A_55 : memref<1x3200x16xf32, #tpu.memory_space<hbm>> -> memref<3200x16xf32, #tpu.memory_space<hbm>>
      %dma_wait3A_57 = arith.constant 3200 : i32
      %dma_wait3A_58 = arith.constant 0 : i32
      %dma_wait3A_59 = tpu.memref_slice %arg4[%add3A, %dma_wait3A_57, %dma_wait3A_58] : memref<32x6400x16xf32, #tpu.memory_space<hbm>> -> memref<1x3200x16xf32, #tpu.memory_space<hbm>>
      %dma_wait3A_60 = tpu.memref_squeeze %dma_wait3A_59 : memref<1x3200x16xf32, #tpu.memory_space<hbm>> -> memref<3200x16xf32, #tpu.memory_space<hbm>>
      %dma_wait3A_61 = arith.constant 3200 : i32
      %dma_wait3A_62 = arith.constant 0 : i32
      %dma_wait3A_63 = tpu.memref_slice %arg6[%dma_wait3A_61, %dma_wait3A_62] : memref<6400x16xf32, #tpu.memory_space<vmem>> -> memref<3200x16xf32, #tpu.memory_space<vmem>>
      tpu.wait_dma2 semaphore(%run_scoped3A : memref<!tpu.dma_semaphore, #tpu.memory_space<semaphore_mem>>) src(%dma_wait3A_63 : memref<3200x16xf32, #tpu.memory_space<vmem>>) dst(%dma_wait3A_60 : memref<3200x16xf32, #tpu.memory_space<hbm>>)
      tpu.yield
    }) : () -> ()
    return
  }
}

module attributes {stable_mosaic.version = 14 : i64} {
  func.func @_project_body(%arg0: i32, %arg1: memref<8000x300xf32, #tpu.memory_space<vmem>>, %arg2: memref<300x16xf32, #tpu.memory_space<vmem>>, %arg3: memref<1x16xf32, #tpu.memory_space<vmem>>, %arg4: memref<1000x128xf32, #tpu.memory_space<vmem>>) attributes {dimension_semantics = [#tpu.dimension_semantics<arbitrary>], iteration_bounds = array<i64: 50>, scalar_prefetch = 0 : i64, scratch_operands = 0 : i64, tpu.core_type = #tpu.core_type<tc>, window_params = [{transform_indices = @transform_0, window_bounds = array<i64: 8000, 300>}, {pipeline_mode = #tpu.pipeline_mode<synchronous>, transform_indices = @transform_1, window_bounds = array<i64: 300, 16>}, {pipeline_mode = #tpu.pipeline_mode<synchronous>, transform_indices = @transform_2, window_bounds = array<i64: 1, 16>}, {transform_indices = @transform_3, window_bounds = array<i64: 1000, 128>}]} {
    %get3A = arith.constant 0 : index
    %get3A_0 = arith.constant 0 : index
    %get3A_1 = vector.load %arg1[%get3A, %get3A_0] : memref<8000x300xf32, #tpu.memory_space<vmem>>, vector<8000x300xf32>
    %get3A_2 = arith.constant 0 : index
    %get3A_3 = arith.constant 0 : index
    %get3A_4 = vector.load %arg2[%get3A_2, %get3A_3] : memref<300x16xf32, #tpu.memory_space<vmem>>, vector<300x16xf32>
    %dot_general3A = arith.constant dense<0.000000e+00> : vector<8000x16xf32>
    %dot_general3A_5 = tpu.matmul %get3A_1, %get3A_4, %dot_general3A {dimension_numbers = #tpu.dot_dimension_numbers<[1], [0], [0], [1], [0, 0, 1, 1], [], []>, transpose_lhs_hint = false} : vector<8000x300xf32>, vector<300x16xf32>, vector<8000x16xf32> -> vector<8000x16xf32>
    %get3A_6 = arith.constant 0 : index
    %get3A_7 = arith.constant 0 : index
    %get3A_8 = vector.load %arg3[%get3A_6, %get3A_7] : memref<1x16xf32, #tpu.memory_space<vmem>>, vector<1x16xf32>
    %add3A = vector.broadcast %get3A_8 : vector<1x16xf32> to vector<8000x16xf32>
    %add3A_9 = arith.addf %dot_general3A_5, %add3A : vector<8000x16xf32>
    %slice3A = vector.extract_strided_slice %add3A_9 {offsets = [0, 0], sizes = [1000, 16], strides = [1, 1]} : vector<8000x16xf32> to vector<1000x16xf32>
    %slice3A_10 = vector.extract_strided_slice %add3A_9 {offsets = [1000, 0], sizes = [1000, 16], strides = [1, 1]} : vector<8000x16xf32> to vector<1000x16xf32>
    %slice3A_11 = vector.extract_strided_slice %add3A_9 {offsets = [2000, 0], sizes = [1000, 16], strides = [1, 1]} : vector<8000x16xf32> to vector<1000x16xf32>
    %slice3A_12 = vector.extract_strided_slice %add3A_9 {offsets = [3000, 0], sizes = [1000, 16], strides = [1, 1]} : vector<8000x16xf32> to vector<1000x16xf32>
    %slice3A_13 = vector.extract_strided_slice %add3A_9 {offsets = [4000, 0], sizes = [1000, 16], strides = [1, 1]} : vector<8000x16xf32> to vector<1000x16xf32>
    %slice3A_14 = vector.extract_strided_slice %add3A_9 {offsets = [5000, 0], sizes = [1000, 16], strides = [1, 1]} : vector<8000x16xf32> to vector<1000x16xf32>
    %slice3A_15 = vector.extract_strided_slice %add3A_9 {offsets = [6000, 0], sizes = [1000, 16], strides = [1, 1]} : vector<8000x16xf32> to vector<1000x16xf32>
    %slice3A_16 = vector.extract_strided_slice %add3A_9 {offsets = [7000, 0], sizes = [1000, 16], strides = [1, 1]} : vector<8000x16xf32> to vector<1000x16xf32>
    %concatenate3A = tpu.concatenate %slice3A, %slice3A_10, %slice3A_11, %slice3A_12, %slice3A_13, %slice3A_14, %slice3A_15, %slice3A_16 in 1 : vector<1000x16xf32>, vector<1000x16xf32>, vector<1000x16xf32>, vector<1000x16xf32>, vector<1000x16xf32>, vector<1000x16xf32>, vector<1000x16xf32>, vector<1000x16xf32> -> vector<1000x128xf32>
    %swap3A = arith.constant 0 : index
    %swap3A_17 = arith.constant 0 : index
    %swap3A_18 = vector.load %arg4[%swap3A, %swap3A_17] : memref<1000x128xf32, #tpu.memory_space<vmem>>, vector<1000x128xf32>
    tpu.vector_store %arg4[%swap3A, %swap3A_17], %concatenate3A {strides = array<i32>} : memref<1000x128xf32, #tpu.memory_space<vmem>>, vector<1000x128xf32>,
    return
  }
  func.func @transform_0(%arg0: i32) -> (i32, i32) {
    %c0_i32 = arith.constant 0 : i32
    %c0_i32_0 = arith.constant 0 : i32
    return %arg0, %c0_i32 : i32, i32
  }
  func.func @transform_1(%arg0: i32) -> (i32, i32) {
    %c0_i32 = arith.constant 0 : i32
    %c0_i32_0 = arith.constant 0 : i32
    %c0_i32_1 = arith.constant 0 : i32
    return %c0_i32, %c0_i32_0 : i32, i32
  }
  func.func @transform_2(%arg0: i32) -> (i32, i32) {
    %c0_i32 = arith.constant 0 : i32
    %c0_i32_0 = arith.constant 0 : i32
    %c0_i32_1 = arith.constant 0 : i32
    return %c0_i32, %c0_i32_0 : i32, i32
  }
  func.func @transform_3(%arg0: i32) -> (i32, i32) {
    %c0_i32 = arith.constant 0 : i32
    %c0_i32_0 = arith.constant 0 : i32
    return %arg0, %c0_i32 : i32, i32
  }
}

</mosaic_0001>

<sc_bundles>
// kernel: kernel.4.cloned.1.call-start
scs
__scs_entry_jumppad:
0x0: {  	(pc) =	sbr.rel $0x88, $3  }
0x1: {  	(tag) =	ssettag $0x0;
	lr =	simm.s32 $0x1  }
0x2: {  	[smem:$0x3F9D] =	sst lr;
	_ =	strace $0xD0000000  }
0x3: {  	_ = 	snop  }
0x4: {  	_ = 	snop  }
0x5: {  	_ = 	snop  }
0x6: {  	_ = 	snop  }
0x7: {  	_ = 	snop  }
__scs_overlays_trampoline_lowered:
0x8: {  	[smem:$0x3FAC] =	sst s0  }
0x9: {  	[smem:$0x3FAD] =	sst s1  }
0xa: {  	[smem:$0x3FAE] =	sst s2  }
0xb: {  	[smem:$0x3FAF] =	sst s3  }
0xc: {  	[smem:$0x3FB0] =	sst s4  }
0xd: {  	[smem:$0x3FB1] =	sst s5  }
0xe: {  	[smem:$0x3FB2] =	sst s6  }
0xf: {  	[smem:$0x3FB3] =	sst s7  }
0x10: {  	[smem:$0x3FB4] =	sst s8  }
0x11: {  	[smem:$0x3FB5] =	sst s9;
	s0 =	simm.s32 @!p0 $0x0  }
0x12: {  	s1 =	sld [smem:$0x3F9B];
	s0 =	simm.s32 @p0 $0x1  }
0x13: {  	[smem:$0x3FB6] =	sst s0;
	s0 =	simm.s32 @!p1 $0x0  }
0x14: {  	s2 =	sld [smem:$0x3F9A];
	s0 =	simm.s32 @p1 $0x1  }
0x15: {  	[smem:$0x3FB7] =	sst s0;
	s0 =	simm.s32 @!p2 $0x0  }
0x16: {  	s3 =	sld [smem:$0x3FDB];
	s0 =	simm.s32 @p2 $0x1  }
0x17: {  	s4 =	simm.s32 $0x1BF5;
	[smem:$0x3FB9] =	sst s0  }
0x18: {  	s0 =	sld [smem:$0x3F9C];
	_ =	swait.ge [sflag:s4], $0x0  }
0x19: {  	s7 =	sld [smem:$0x3F9D]  }
0x1a: {  	s8 =	sadd.s32 $0xFFFFE003, lr  }
0x1b: {  	s9 =	sadd.s32 $0xFFFFFEF7, lr;
	s5 =	simm.s32 $0xFFFFFFFF;
	p2 =	slt.u32 s8, $0xFFFFF086  }
0x1c: {  	p1 =	slt.u32 s9, $0xF7A;
	s5 =	simm.s32 @!p2 $0x0  }
0x1d: {  	s5 =	simm.s32 @p1 $0x1;
	p0 =	seq.s32 s7, s2  }
0x1e: {  	s7 =	smul.u32 @!p0 $0xF7A, s2;
	p2 =	seq.s32 @!p0 s5, $0x0  }
0x1f: {  	s9 =	smul.u32 $0xF7A, s1;
	s8 =	simm.s32 @!p0 $0x1BF5;
	p2 =	por !p2, p0  }
0x20: {  	[sflag:s8] =	ssyncset.s32 @!p0 $0xFFFFF086;
	s6 =	sadd.s32 @!p0 s3, s7;
	s7 =	simm.s32 @!p0 $0x108  }
0x21: {  	s3 =	sadd.s32 s3, s9;
	s6 =	sadd.s32 @!p0 $0x88, s6;
	s7 =	simm.s32 @p2 $0x1082  }
0x22: {  	[simem:s7], [sflag:s8] =	dma.local @!p0 [hbm:s6], $0xF7A  }
0x23: {  	s9 =	sor.u32 $0xD0000000, s2;
	s6 =	simm.s32 $0x108;
	_ =	swait.ge @!p0 [sflag:s8], $0x0  }
0x24: {  	s3 =	sadd.s32 $0x88, s3;
	s6 =	simm.s32 @!p1 $0x1082;
	[sflag:s4] =	ssyncset.s32 $0xFFFFF086  }
0x25: {  	[simem:s6], [sflag:s4] =	dma.local [hbm:s3], $0xF7A  }
0x26: {  	[smem:$0x3F9D] =	sst s1;
	(tag) =	ssettag s2;
	_ =	strace s9  }
0x27: {  	s1 =	sld [smem:$0x3FAD]  }
0x28: {  	s2 =	sld [smem:$0x3FAE]  }
0x29: {  	s4 =	sld [smem:$0x3FB0]  }
0x2a: {  	p0 =	seq.s32 s5, $0x0;
	s5 =	sld [smem:$0x3FB1]  }
0x2b: {  	s6 =	sld [smem:$0x3FB2]  }
0x2c: {  	s7 =	sld [smem:$0x3FB3]  }
0x2d: {  	s3 =	simm.s32 $0x108;
	s8 =	sld [smem:$0x3FB4]  }
0x2e: {  	s3 =	simm.s32 @!p0 $0x1082;
	s9 =	sld [smem:$0x3FB5]  }
0x2f: {  	lr =	sadd.s32 s0, s3;
	s0 =	sld [smem:$0x3FAC]  }
0x30: {  	s3 =	sld [smem:$0x3FAF]  }
0x31: {  	[smem:$0x3FB8] =	sst s10  }
0x32: {  	s10 =	sld [smem:$0x3FB6];
	_ =	sdelay $0x3  }
0x33: {  	p0 =	seq.s32 s10, $0x1;
	s10 =	sld [smem:$0x3FB8];
	_ =	sdelay $0x3  }
0x34: {  	[smem:$0x3FB8] =	sst s10  }
0x35: {  	s10 =	sld [smem:$0x3FB7];
	_ =	sdelay $0x3  }
0x36: {  	p1 =	seq.s32 s10, $0x1;
	s10 =	sld [smem:$0x3FB8];
	_ =	sdelay $0x3  }
0x37: {  	[smem:$0x3FB8] =	sst s10  }
0x38: {  	s10 =	sld [smem:$0x3FB9]  }
0x39: {  	_ = 	snop;
	(pc) =	sbr.ind lr, $3  }
0x3a: {  	_ = 	snop  }
0x3b: {  	_ = 	snop  }
0x3c: {  	p2 =	seq.s32 s10, $0x1;
	s10 =	sld [smem:$0x3FB8]  }
0x3d: {  	_ =	shalt  }
0x3e: {  	_ =	shalt  }
0x3f: {  	_ =	shalt  }
0x40: {  	_ =	shalt  }
0x41: {  	_ =	shalt  }
0x42: {  	_ =	shalt  }
0x43: {  	_ =	shalt  }
0x44: {  	_ =	shalt  }
0x45: {  	_ =	shalt  }
0x46: {  	_ =	shalt  }
0x47: {  	_ =	shalt  }
0x48: {  	_ =	shalt  }
0x49: {  	_ =	shalt  }
0x4a: {  	_ =	shalt  }
0x4b: {  	_ =	shalt  }
0x4c: {  	_ =	shalt  }
0x4d: {  	_ =	shalt  }
0x4e: {  	_ =	shalt  }
0x4f: {  	_ =	shalt  }
0x50: {  	_ =	shalt  }
0x51: {  	_ =	shalt  }
0x52: {  	_ =	shalt  }
0x53: {  	_ =	shalt  }
0x54: {  	_ =	shalt  }
0x55: {  	_ =	shalt  }
0x56: {  	_ =	shalt  }
0x57: {  	_ =	shalt  }
0x58: {  	_ =	shalt  }
0x59: {  	_ =	shalt  }
0x5a: {  	_ =	shalt  }
0x5b: {  	_ =	shalt  }
0x5c: {  	_ =	shalt  }
0x5d: {  	_ =	shalt  }
0x5e: {  	_ =	shalt  }
0x5f: {  	_ =	shalt  }
0x60: {  	_ =	shalt  }
0x61: {  	_ =	shalt  }
0x62: {  	_ =	shalt  }
0x63: {  	_ =	shalt  }
0x64: {  	_ =	shalt  }
0x65: {  	_ =	shalt  }
0x66: {  	_ =	shalt  }
0x67: {  	_ =	shalt  }
0x68: {  	_ =	shalt  }
0x69: {  	_ =	shalt  }
0x6a: {  	_ =	shalt  }
0x6b: {  	_ =	shalt  }
0x6c: {  	_ =	shalt  }
0x6d: {  	_ =	shalt  }
0x6e: {  	_ =	shalt  }
0x6f: {  	_ =	shalt  }
0x70: {  	_ =	shalt  }
0x71: {  	_ =	shalt  }
0x72: {  	_ =	shalt  }
0x73: {  	_ =	shalt  }
0x74: {  	_ =	shalt  }
0x75: {  	_ =	shalt  }
0x76: {  	_ =	shalt  }
0x77: {  	_ =	shalt  }
0x78: {  	_ =	shalt  }
0x79: {  	_ =	shalt  }
0x7a: {  	_ =	shalt  }
0x7b: {  	_ =	shalt  }
0x7c: {  	_ =	shalt  }
0x7d: {  	_ =	shalt  }
0x7e: {  	_ =	shalt  }
0x7f: {  	_ =	shalt  }
0x80: {  	_ =	shalt  }
0x81: {  	_ =	shalt  }
0x82: {  	_ =	shalt  }
0x83: {  	_ =	shalt  }
0x84: {  	_ =	shalt  }
0x85: {  	_ =	shalt  }
0x86: {  	_ =	shalt  }
0x87: {  	_ =	shalt  }
.Lfunc_end0:
.L_simem_size_0:
called_computation_lowered:
.L_overlay_start_0:
0x88: {  	s2 =	sld [smem:$0x3FD9]  }
0x89: {  	s3 =	sld [smem:$0x3FFE];
	_ =	sdelay $0x1  }
0x8a: {  	s1 =	srdreg.scid  }
0x8b: {  	s0 =	sand.u32 $0x1, s1  }
0x8c: {  	s17 =	sshll.u32 s0, $0xA;
	s2 =	sadd.s32 s3, s2  }
0x8d: {  	s2 =	sadd.s32 s2, s17  }
0x8e: {  	[smem:$0x3FC4] =	sst s2  }
0x8f: {  	_ = 	snop  }
0x90: {  	s2 =	sld [smem:$0x3FD0];
	(tm) =	ssettm $0x1  }
0x91: {  	s18 =	sld [smem:$0x3FFB];
	_ =	sdelay $0x3  }
0x92: {  	_ =	strace s18  }
0x93: {  	s3 =	sld [smem:$0x3FFC];
	_ =	sdelay $0x3  }
0x94: {  	_ =	strace s3  }
0x95: {  	s3 =	sld [smem:$0x3FFD];
	_ =	sdelay $0x3  }
0x96: {  	_ =	strace s3  }
0x97: {  	_ =	strace $0x8FFFFFFF  }
0x98: {  	s19 =	sld [smem:$0x3FDB];
	_ =	sdelay $0x1  }
0x99: {  	s4 =	simm.s32 $_scs_section_size  }
0x9a: {  	s5 =	simm.s32 $_size__tile_overlayer_lowered;
	s6 =	simm.s32 $_tile_overlayer_lowered  }
0x9b: {  	s22 =	simm.s32 $0x1BFF;
	s21 =	sshll.u32 s6, $0x1;
	s3 =	sadd.s32 s4, s19  }
0x9c: {  	s7 =	simm.s32 $0x0;
	s20 =	sshll.u32 s5, $0x1;
	s5 =	sadd.s32 s21, s3  }
0x9d: {  	[timem:s7], [sflag:s22] =	dma.local [hbm:s5], s20  }
0x9e: {  	_ =	swait.ge [sflag:s22], s20  }
0x9f: {  	s4 =	ssub.s32 $0x0, s20;
	[sflag:s22] =	ssyncset.done $0x0  }
0xa0: {  	[sflag:s22] =	ssyncadd.s32 s4;
	_ =	sdelay $0x1  }
0xa1: {  	s23 =	simm.s32 $0x1B8B  }
0xa2: {  	_ =	swait.ge [sflag:s23], $0x1  }
0xa3: {  	[sflag:s23] =	ssyncset.done $0x0  }
0xa4: {  	s25 =	simm.s32 $0x1B8E;
	s24 =	sld [smem:$0x3FFE];
	[sflag:s23] =	ssyncadd.s32 $0xFFFFFFFF  }
0xa5: {  	s26 =	simm.s32 $execute0_lowered;
	[smem:$0x3FD2] =	sst s25  }
0xa6: {  	s5 =	sshll.u32 s26, $0x1;
	_ =	strace $0x80000046;
	[dreg:$0x1] =	wrdreg $0xFFFFFFFF  }
0xa7: {  	s28 =	simm.s32 $_size_execute0_lowered;
	s3 =	sadd.s32 s3, s5;
	[dreg:$0x0] =	wrdreg $0x0  }
0xa8: {  	s5 =	sshll.u32 s28, $0x1;
	[dreg:$0x2] =	wrdreg s3  }
0xa9: {  	[dreg:$0x3] =	wrdreg s5  }
0xaa: {  	[dreg:$0x4] =	wrdreg $0xC0  }
0xab: {  	_ =	task [dreg:s7], $0x5FFFF  }
0xac: {  	[dreg:$0x1] =	wrdreg $0xFFFFFFFF  }
0xad: {  	[dreg:$0x0] =	wrdreg $0x60  }
0xae: {  	[dreg:$0x2] =	wrdreg s2  }
0xaf: {  	[dreg:$0x3] =	wrdreg s24  }
0xb0: {  	[dreg:$0x4] =	wrdreg $0x9  }
0xb1: {  	_ =	task.clear_ibuf [dreg:s7], $0x5FFFF;
	_ =	strace $0x90000046  }
0xb2: {  	s29 =	simm.s32 $0x9;
	_ =	strace $0x80000048  }
0xb3: {  	_ =	swait.ge [sflag:s29], $0x1  }
0xb4: {  	[sflag:s29] =	ssyncadd.s32 $0xFFFFFFFF  }
0xb5: {  	_ =	strace $0x90000048  }
0xb6: {  	_ =	sfence  }
0xb7: {  	s30 =	sld [smem:$0x0];
	_ =	sdelay $0x2  }
0xb8: {  	s31 =	sshll.u32 s1, $0xD;
	s1 =	sshrl.u32 s1, $0x2  }
0xb9: {  	s3 =	sand.u32 $0x4000, s31;
	s1 =	sadd.s32 s1, s30  }
0xba: {  	s0 =	sor.u32 s3, s0;
	s1 =	sshll.u32 s1, $0x11  }
0xbb: {  	s0 =	sor.u32 s1, s0  }
0xbc: {  	s0 =	sadd.s32 $0x8F2B, s0  }
0xbd: {  	[sflag:s0] =	ssyncadd.remote.s32 $0x1  }
0xbe: {  	_ =	sfence.sel $0xFFFF  }
0xbf: {  	[dreg:$0x0] =	wrdreg $0xFFFFFFFF;
	(pc) =	sbr.abs _section_cstart, $3  }
0xc0: {  	[dreg:$0x1] =	wrdreg $0xFFFFFFFF  }
0xc1: {  	_ =	task.clear_ibuf [dreg:s7], $0x2FFFF;
	_ =	strace $0x9FFFFFFF  }
0xc2: {  	(tm) =	ssettm $0x7FFFFFFF  }
0xc3: {  	_ =	shalt  }
tec
execute0_lowered:
.L_overlay_start_1:
0x0: {  	(tag) =	ssettag $0x1  }
0x1: {  	s4 =	rddreg [dreg:$0x0]  }
0x2: {  	s1 =	srdreg.scid;
	s0 =	stileid.u32  }
0x3: {  	s5 =	rddreg [dreg:$0x1];
	s2 =	simm.s32 $0x0;
	s9 =	simm.s32 $0xC80  }
0x4: {  	s10 =	simm.s32 $0x1900;
	s3 =	sand.u32 $0x1, s1;
	s6 =	sshll.u32 s0, $0x1  }
0x5: {  	s11 =	simm.s32 $0xE100;
	s12 =	simm.s32 $0x1;
	s6 =	sor.u32 s3, s6  }
0x6: {  	s13 =	simm.s32 $0x2;
	[smem:$0x7FF] =	sst s2;
	s7 =	smul.u32 $0x19000, s6  }
0x7: {  	s14 =	simm.s32 $0x0;
	s1 =	rddreg [dreg:$0x2];
	_ =	strace $0x80000047  }
0x8: {  	s8 =	ssub.s32 $0x2, s3;
	s6 =	smul.u32 $0x320, s6;
	s7 =	sshrl.u32 s7, $0x3  }
0x9: {  	s3 =	sadd.s32 $0x1250600, s5;
	s31 =	sshrl.u32 s8, $0x1;
	s7 =	sadd.s32 s7, s5  }
0xa: {  	s8 =	ssub.s32 s8, s31;
	s4 =	sadd.s32 s4, s6;
	s5 =	sadd.s32 $0xE00, s7  }
0xb: {  	s6 =	sadd.s32 $0x2700, s7;
	s7 =	smax.u32 s8, $0x1;
	s8 =	simm.s32 $0x3  }
.LBB2_1:
0xc: {  	[tilespmem:s2], [sflag:$0x3] =	stream.linear.gather [hbm4b:s4+s2], $0x1900, $0x38;
	[tilespmem:$0x1A900] =	vst v63  }
0xd: {  	_ =	swait.ge [sflag:s8], $0x1900  }
0xe: {  	[sflag:s8] =	ssyncset.done $0x0  }
0xf: {  	s15 =	simm.s32 $0x0;
	s16 =	simm.s32 $0x40;
	[sflag:s8] =	ssyncadd.s32 $0xFFFFE700  }
.LBB2_2:
0x10: {  	p0 =	sne.s32 s16, $0x63C0;
	v0 =	vld [tilespmem:s15+$0x0];
	_ =	sdelay $0x4  }
0x11: {  	v1 =	vcvt.s32.f32 v0;
	_ =	sdelay $0x1  }
0x12: {  	v1 =	vadd.f32 $5.000000000e-01, v1;
	_ =	sdelay $0x1  }
0x13: {  	v1 =	vmul.f32 $1.250000060e-04, v1;
	_ =	sdelay $0x1  }
0x14: {  	v1 =	vtrunc.f32 v1  }
0x15: {  	v1 =	vcvt.f32.s32 v1;
	_ =	sdelay $0x1  }
0x16: {  	v2 =	vmul.u32 $0xFFFFE0C0, v1;
	_ =	sdelay $0x1  }
0x17: {  	v0 =	vadd.s32 v0, v2  }
0x18: {  	v2 =	vcvt.s32.f32 v0;
	_ =	sdelay $0x1  }
0x19: {  	v2 =	vadd.f32 $5.000000000e-01, v2;
	_ =	sdelay $0x1  }
0x1a: {  	v2 =	vmul.f32 $1.000000050e-03, v2;
	_ =	sdelay $0x1  }
0x1b: {  	v2 =	vtrunc.f32 v2  }
0x1c: {  	v2 =	vcvt.f32.s32 v2  }
0x1d: {  	v1 =	vmul.u32 $0x3E8, v1  }
0x1e: {  	v3 =	vmul.u32 $0x1FFFFC18, v2  }
.Ltmp0:
0x1f: {  	v0 =	vadd.s32 v1, v0;
	(pc) =	sbr.rel @p0 .LBB2_2-.Ltmp0, $4  }
0x20: {  	v0 =	vadd.s32 v3, v0  }
0x21: {  	v0 =	vshll.u32 v0, $0x3  }
0x22: {  	v0 =	vadd.s32 v2, v0  }
0x23: {  	[tilespmem:s15+$0x0] =	vst v0;
	s15 =	sshra.s32 s16, $0x2;
	s16 =	sadd.s32 $0x40, s16  }
0x24: {  	v0 =	vld [tilespmem:s15+$0x0];
	_ =	sdelay $0x4  }
0x25: {  	v1 =	vcvt.s32.f32 v0;
	_ =	sdelay $0x1  }
0x26: {  	v1 =	vadd.f32 $5.000000000e-01, v1;
	_ =	sdelay $0x1  }
0x27: {  	v1 =	vmul.f32 $1.250000060e-04, v1;
	_ =	sdelay $0x1  }
0x28: {  	v1 =	vtrunc.f32 v1  }
0x29: {  	v1 =	vcvt.f32.s32 v1;
	_ =	sdelay $0x1  }
0x2a: {  	v2 =	vmul.u32 $0xFFFFE0C0, v1;
	_ =	sdelay $0x1  }
0x2b: {  	v0 =	vadd.s32 v0, v2  }
0x2c: {  	v2 =	vcvt.s32.f32 v0;
	_ =	sdelay $0x1  }
0x2d: {  	v2 =	vadd.f32 $5.000000000e-01, v2;
	_ =	sdelay $0x1  }
0x2e: {  	v2 =	vmul.f32 $1.000000050e-03, v2;
	_ =	sdelay $0x1  }
0x2f: {  	v2 =	vtrunc.f32 v2  }
0x30: {  	v2 =	vcvt.f32.s32 v2  }
0x31: {  	v1 =	vmul.u32 $0x3E8, v1  }
0x32: {  	v3 =	vmul.u32 $0x1FFFFC18, v2  }
0x33: {  	v0 =	vadd.s32 v1, v0  }
0x34: {  	v0 =	vadd.s32 v3, v0  }
0x35: {  	v0 =	vshll.u32 v0, $0x3  }
0x36: {  	v0 =	vadd.s32 v2, v0  }
0x37: {  	[tilespmem:s15+$0x0] =	vst v0  }
0x38: {  	[tilespmem:s10], [sflag:$0x1] =	stream.indirect.gather [hbm4b:s3+s9], $0x10, s2, s9, $0xb8;
	[tilespmem:$0x1A900] =	vst v63  }
0x39: {  	_ = 	snop  }
0x3a: {  	[tilespmem:s11], [sflag:$0x2] =	stream.indirect.gather [hbm4b:s3+s9], $0x10, s9, s9, $0xb8;
	[tilespmem:$0x1A900] =	vst v63  }
0x3b: {  	_ =	swait.ge [sflag:s12], $0xC800  }
0x3c: {  	[sflag:s12] =	ssyncset.done $0x0  }
0x3d: {  	[sflag:s12] =	ssyncadd.s32 $0xFFFF3800  }
0x3e: {  	[hbm4b:s5+s2] =	stream.linear.scatter [tilespmem:s10], [sflag:$0x3], $0xC800, $0x38;
	[tilespmem:$0x1A900] =	vst v63  }
0x3f: {  	_ =	swait.ge [sflag:s8], $0xC800  }
0x40: {  	[sflag:s8] =	ssyncset.done $0x0  }
0x41: {  	[sflag:s8] =	ssyncadd.s32 $0xFFFF3800  }
0x42: {  	s14 =	sadd.s32 $0x1, s14;
	_ =	swait.ge [sflag:s13], $0xC800  }
0x43: {  	p0 =	sne.s32 s14, s7;
	[sflag:s13] =	ssyncset.done $0x0  }
.Ltmp1:
0x44: {  	[sflag:s13] =	ssyncadd.s32 $0xFFFF3800;
	(pc) =	sbr.rel @p0 .LBB2_1-.Ltmp1, $4  }
0x45: {  	[hbm4b:s6+s2] =	stream.linear.scatter [tilespmem:s11], [sflag:$0x3], $0xC800, $0x38;
	[tilespmem:$0x1A900] =	vst v63  }
0x46: {  	_ =	swait.ge [sflag:s8], $0xC800  }
0x47: {  	[sflag:s8] =	ssyncset.done $0x0  }
0x48: {  	[sflag:s8] =	ssyncadd.s32 $0xFFFF3800  }
0x49: {  	_ =	sfence.sel $0x180000  }
0x4a: {  	[bflag:$0x0] =	sbarrier.arrive $0xFFFF  }
0x4b: {  	p0 =	sne.s32 s0, $0x0;
	_ =	strace $0x90000047  }
0x4c: {  	s0 =	sadd.s32 @!p0 $0x100000, s1;
	[bflag:$0x2] =	sbarrier.arrive $0xFFFF  }
0x4d: {  	[sflag:s0] =	ssyncadd.tile.s32 @!p0 $0x1;
	_ =	shalt  }
.Lfunc_end2:
_tile_overlayer_lowered:
.L_overlay_start_2:
0x4e: {  	(tag) =	ssettag $0x2  }
0x4f: {  	s0 =	rddreg [dreg:$0x0];
	s2 =	stileid.u32  }
0x50: {  	s1 =	rddreg [dreg:$0x1];
	p0 =	sne.s32 s2, $0x0  }
0x51: {  	s3 =	rddreg [dreg:$0x2];
	[bflag:$0x3] =	sbarrier.arrive $0xFFFF;
	s2 =	simm.s32 @!p0 $0x1C03  }
0x52: {  	[timem:s3], [sflag:s2] =	dma.local @!p0 [hbm:s0], s1  }
0x53: {  	s0 =	simm.s32 @!p0 $0x3  }
0x54: {  	_ =	swait.ge @!p0 [sflag:s0], s1  }
0x55: {  	s1 =	ssub.s32 @!p0 $0x0, s1;
	[sflag:s0] =	ssyncset.done @!p0 $0x0  }
0x56: {  	[sflag:s0] =	ssyncadd.s32 @!p0 s1  }
0x57: {  	[bflag:$0x3] =	sbarrier.arrive $0xFFFF  }
0x58: {  	_ =	shalt  }

</sc_bundles>
